<compile_context>
chip_gen: v7x
topology: tpu7x:2x2x1
jax: 0.10.2.dev20260603
libtpu: 0.0.44.dev20260713+nightly
codegen_flags: <defaults>
</compile_context>

<pallas_src>
import jax
import jax.numpy as jnp
from jax import lax
from jax.experimental import pallas as pl
from jax.experimental.pallas import tpu as pltpu
from jax.experimental.pallas import tpu_sc as plsc

_MAP = 64
_K = 64
_B = 64
_C = 145
_S2 = _MAP * _MAP
_THR = 0.25

_NC = 2
_NS = 16
_NW = _NC * _NS
_DETS = _B * _K
_DPT = _DETS // _NW
_EPT = _DPT * _C


def _shift2d(x, dy, dx, fill):
    b, h, w = x.shape
    if dy > 0:
        x = jnp.concatenate([x[:, dy:, :], jnp.full((b, dy, w), fill, x.dtype)], axis=1)
    elif dy < 0:
        x = jnp.concatenate([jnp.full((b, -dy, w), fill, x.dtype), x[:, :dy, :]], axis=1)
    if dx > 0:
        x = jnp.concatenate([x[:, :, dx:], jnp.full((b, h, dx), fill, x.dtype)], axis=2)
    elif dx < 0:
        x = jnp.concatenate([jnp.full((b, h, -dx), fill, x.dtype), x[:, :, :dx]], axis=2)
    return x


def _nms_topk_kernel(cm_ref, score_ref, ind_ref, cy_ref, cx_ref, valid_ref,
                     idx_all_ref):
    cm = cm_ref[...]
    neg = jnp.float32(-jnp.inf)
    pooled = cm
    for dy in (-1, 0, 1):
        for dx in (-1, 0, 1):
            if dy == 0 and dx == 0:
                continue
            pooled = jnp.maximum(pooled, _shift2d(cm, dy, dx, neg))
    vals = jnp.where(pooled == cm, cm, jnp.float32(0.0))

    flatidx = (lax.broadcasted_iota(jnp.int32, cm.shape, 1) * _MAP
               + lax.broadcasted_iota(jnp.int32, cm.shape, 2))
    kcol = lax.broadcasted_iota(jnp.int32, (_B, _K), 1)

    def body(k, carry):
        m_prev, i_prev, scores, inds = carry
        mp = m_prev[:, None, None]
        ip = i_prev[:, None, None]
        emitted = (vals > mp) | ((vals == mp) & (flatidx <= ip))
        masked = jnp.where(emitted, neg, vals)
        m = jnp.max(masked, axis=(1, 2))
        cand = jnp.where(masked == m[:, None, None], flatidx, jnp.int32(_S2))
        idx = jnp.min(cand, axis=(1, 2))
        scores = jnp.where(kcol == k, m[:, None], scores)
        inds = jnp.where(kcol == k, idx[:, None], inds)
        return m, idx, scores, inds

    scores0 = jnp.zeros((_B, _K), jnp.float32)
    inds0 = jnp.zeros((_B, _K), jnp.int32)
    m0 = jnp.full((_B,), jnp.inf, jnp.float32)
    i0 = jnp.full((_B,), -1, jnp.int32)
    _, _, scores, inds = lax.fori_loop(0, _K, body, (m0, i0, scores0, inds0))

    score_ref[...] = scores
    ind_ref[...] = inds
    cy_ref[...] = inds // _MAP
    cx_ref[...] = inds % _MAP
    valid_ref[...] = scores > _THR

    b_off = lax.broadcasted_iota(jnp.int32, (_B, _K, _C), 0) * (_C * _S2)
    c_off = lax.broadcasted_iota(jnp.int32, (_B, _K, _C), 2) * _S2
    idx_all_ref[...] = b_off + c_off + inds[:, :, None]


_NSTREAM = 1
_SLEN = _EPT // _NSTREAM


def _sc_gather_kernel(table_hbm, idx_hbm, out_hbm, idx_v, rows_v, sem):
    wid = lax.axis_index("s") * _NC + lax.axis_index("c")
    base = wid * _EPT
    pltpu.sync_copy(idx_hbm.at[pl.ds(base, _EPT)], idx_v)
    copies = [
        pltpu.async_copy(
            table_hbm.at[idx_v.at[pl.ds(i * _SLEN, _SLEN)]],
            rows_v.at[pl.ds(i * _SLEN, _SLEN)], sem)
        for i in range(_NSTREAM)
    ]
    for cp in copies:
        cp.wait()
    pltpu.sync_copy(rows_v, out_hbm.at[pl.ds(base, _EPT)])


def _sc_gather(params_maps, idx_all):
    table = params_maps.reshape(_B * _C * _S2)
    mesh = plsc.VectorSubcoreMesh(core_axis_name="c", subcore_axis_name="s")
    f = pl.kernel(
        _sc_gather_kernel,
        out_type=jax.ShapeDtypeStruct((_DETS * _C,), jnp.float32),
        mesh=mesh,
        scratch_types=[
            pltpu.VMEM((_EPT,), jnp.int32),
            pltpu.VMEM((_EPT,), jnp.float32),
            pltpu.SemaphoreType.DMA,
        ],
    )
    return f(table, idx_all.reshape(_DETS * _C))


def kernel(center_map, params_maps):
    cm = center_map[:, 0]

    scores, inds, cy, cx, valid, idx_all = pl.pallas_call(
        _nms_topk_kernel,
        out_shape=(
            jax.ShapeDtypeStruct((_B, _K), jnp.float32),
            jax.ShapeDtypeStruct((_B, _K), jnp.int32),
            jax.ShapeDtypeStruct((_B, _K), jnp.int32),
            jax.ShapeDtypeStruct((_B, _K), jnp.int32),
            jax.ShapeDtypeStruct((_B, _K), jnp.bool_),
            jax.ShapeDtypeStruct((_B, _K, _C), jnp.int32),
        ),
    )(cm)

    params_pred = _sc_gather(params_maps, idx_all).reshape(_DETS, _C)

    cyxs = jnp.stack([cy, cx], axis=-1)
    reorganize_idx = jnp.repeat(jnp.arange(_B, dtype=jnp.int32), _K)
    return (params_pred, scores, valid, cyxs, reorganize_idx)

# --- scband reference (transcript-rebuilt; emitter-appended) ---
"""Pipeline reference for scband-result-parser-85856396247870 (READ-ONLY COPY).

The authoritative reference and input builder live on the scoring server;
editing this copy changes nothing except your own understanding.
"""

import jax, jax.numpy as jnp
import numpy as np

MAP_SIZE = 64
TOPK = 64
THRESH = 0.25
PARAM_DIM = 145
BATCH = 64


def setup_inputs(seed: int = 0) -> dict:
    key = jax.random.key(seed)
    k1, k2 = jax.random.split(key)
    center_map = jax.random.uniform(k1, (BATCH, 1, MAP_SIZE, MAP_SIZE), dtype=jnp.float32)
    params_maps = jax.random.normal(k2, (BATCH, PARAM_DIM, MAP_SIZE, MAP_SIZE), dtype=jnp.float32)
    return {"center_map": center_map, "params_maps": params_maps}


def _maxpool3x3(x):
    # 3x3 stride-1 SAME max pool over last two dims of [B, H, W]
    return jax.lax.reduce_window(x, -jnp.inf, jax.lax.max,
                                 window_dimensions=(1, 3, 3),
                                 window_strides=(1, 1, 1),
                                 padding='SAME')


def parse_centermap(center_map):
    # CenterMap.parse_centermap: peak-NMS via max-pool equality, then top-k + confidence threshold.
    # Variable-length detections are replaced by fixed top-K with a validity mask (jit-friendly).
    B = center_map.shape[0]
    cm = center_map[:, 0]  # [B, S, S]
    pooled = _maxpool3x3(cm)
    keep = (pooled == cm).astype(cm.dtype)
    cm_nms = cm * keep
    flat = cm_nms.reshape(B, -1)  # [B, S*S]
    top_score, flat_inds = jax.lax.top_k(flat, TOPK)  # [B, K]
    valid = top_score > THRESH
    cy = flat_inds // MAP_SIZE
    cx = flat_inds % MAP_SIZE
    cyxs = jnp.stack([cy, cx], axis=-1)  # [B, K, 2]
    batch_ids = jnp.repeat(jnp.arange(B), TOPK)  # [B*K]
    flat_inds_all = flat_inds.reshape(-1)  # [B*K]
    return batch_ids, flat_inds_all, cyxs, top_score, valid


def parameter_sampling(maps, batch_ids, flat_inds):
    # ResultParser.parameter_sampling with use_transform=True
    B, C = maps.shape[:2]
    maps_t = maps.reshape(B, C, -1).transpose(0, 2, 1)  # [B, S*S, C]
    return maps_t[batch_ids, flat_inds]  # [B*K, C]


def reference(center_map, params_maps):
    batch_ids, flat_inds, cyxs, top_score, valid = parse_centermap(center_map)
    params_pred = parameter_sampling(params_maps, batch_ids, flat_inds)
    reorganize_idx = batch_ids
    return (params_pred, top_score, valid, cyxs, reorganize_idx)

if __name__ == "__main__":
    import jax
    _d = setup_inputs()
    print(jax.jit(kernel)(*tuple(_d.values())))

</pallas_src>

<mosaic_0001>
#map = affine_map<(d0, d1) -> (0)>
module attributes {stable_mosaic.version = 14 : i64} {
  func.func @_sc_gather_kernel(%arg0: i32, %arg1: i32, %arg2: memref<38010880xf32, #tpu.memory_space<hbm>>, %arg3: memref<593920xi32, #tpu.memory_space<hbm>>, %arg4: memref<593920xf32, #tpu.memory_space<hbm>>, %arg5: memref<18560xi32, #tpu.memory_space<vmem>>, %arg6: memref<18560xf32, #tpu.memory_space<vmem>>, %arg7: memref<!tpu.dma_semaphore, #tpu.memory_space<semaphore_mem>>) attributes {dimension_semantics = [#tpu.dimension_semantics<core_parallel>, #tpu.dimension_semantics<subcore_parallel>], iteration_bounds = array<i64: 2, 16>, scalar_prefetch = 0 : i64, scratch_operands = 3 : i64, tpu.core_type = #tpu.core_type<sc_vector_subcore>, window_params = [{transform_indices = #map}, {transform_indices = #map}, {transform_indices = #map}]} {
    %mul3A = arith.constant 2 : i32
    %mul3A_0 = arith.muli %arg1, %mul3A : i32
    %add3A = arith.addi %mul3A_0, %arg0 : i32
    %mul3A_1 = arith.constant 18560 : i32
    %mul3A_2 = arith.muli %add3A, %mul3A_1 : i32
    "tpu.region"() ({
      %run_scoped3A = tpu.sem_alloc : memref<!tpu.dma_semaphore, #tpu.memory_space<semaphore_mem>>
      %dma_start3A_13 = tpu.memref_slice %arg3[%mul3A_2] : memref<593920xi32, #tpu.memory_space<hbm>> -> memref<18560xi32, #tpu.memory_space<hbm>>
      %dma_start3A_14 = tpu.memref_slice %arg3[%mul3A_2] : memref<593920xi32, #tpu.memory_space<hbm>> -> memref<18560xi32, #tpu.memory_space<hbm>>
      tpu.enqueue_dma source(%dma_start3A_14 : memref<18560xi32, #tpu.memory_space<hbm>>) target(%arg5 : memref<18560xi32, #tpu.memory_space<vmem>>) target_semaphore(%run_scoped3A : memref<!tpu.dma_semaphore, #tpu.memory_space<semaphore_mem>>)
      %dma_wait3A_15 = tpu.memref_slice %arg3[%mul3A_2] : memref<593920xi32, #tpu.memory_space<hbm>> -> memref<18560xi32, #tpu.memory_space<hbm>>
      %dma_wait3A_16 = tpu.memref_slice %arg3[%mul3A_2] : memref<593920xi32, #tpu.memory_space<hbm>> -> memref<18560xi32, #tpu.memory_space<hbm>>
      tpu.wait_dma2 semaphore(%run_scoped3A : memref<!tpu.dma_semaphore, #tpu.memory_space<semaphore_mem>>) src(%dma_wait3A_16 : memref<18560xi32, #tpu.memory_space<hbm>>) dst(%arg5 : memref<18560xi32, #tpu.memory_space<vmem>>)
      tpu.yield
    }) : () -> ()
    %dma_start3A = arith.constant 0 : i32
    %dma_start3A_3 = tpu.memref_slice %arg6[%dma_start3A] : memref<18560xf32, #tpu.memory_space<vmem>> -> memref<18560xf32, #tpu.memory_space<vmem>>
    %dma_start3A_4 = arith.constant 0 : i32
    %dma_start3A_5 = tpu.memref_slice %arg5[%dma_start3A_4] : memref<18560xi32, #tpu.memory_space<vmem>> -> memref<18560xi32, #tpu.memory_space<vmem>>
    %dma_start3A_6 = arith.constant 0 : i32
    %dma_start3A_7 = tpu.memref_slice %arg2[%dma_start3A_6] : memref<38010880xf32, #tpu.memory_space<hbm>> -> memref<38010880xf32, #tpu.memory_space<hbm>>
    tpu.enqueue_indirect_dma source(%dma_start3A_7 : memref<38010880xf32, #tpu.memory_space<hbm>>) target(%dma_start3A_3 : memref<18560xf32, #tpu.memory_space<vmem>>) offsets(%dma_start3A_5 : memref<18560xi32, #tpu.memory_space<vmem>>) semaphore(%arg7 : memref<!tpu.dma_semaphore, #tpu.memory_space<semaphore_mem>>)
    %dma_wait3A = arith.constant 0 : i32
    %dma_wait3A_8 = tpu.memref_slice %arg6[%dma_wait3A] : memref<18560xf32, #tpu.memory_space<vmem>> -> memref<18560xf32, #tpu.memory_space<vmem>>
    %dma_wait3A_9 = arith.constant 0 : i32
    %dma_wait3A_10 = tpu.memref_slice %arg5[%dma_wait3A_9] : memref<18560xi32, #tpu.memory_space<vmem>> -> memref<18560xi32, #tpu.memory_space<vmem>>
    %dma_wait3A_11 = arith.constant 0 : i32
    %dma_wait3A_12 = tpu.memref_slice %arg2[%dma_wait3A_11] : memref<38010880xf32, #tpu.memory_space<hbm>> -> memref<38010880xf32, #tpu.memory_space<hbm>>
    tpu.wait_indirect_dma semaphore(%arg7 : memref<!tpu.dma_semaphore, #tpu.memory_space<semaphore_mem>>) src(%dma_wait3A_12 : memref<38010880xf32, #tpu.memory_space<hbm>>) dst(%dma_wait3A_8 : memref<18560xf32, #tpu.memory_space<vmem>>)
    "tpu.region"() ({
      %run_scoped3A = tpu.sem_alloc : memref<!tpu.dma_semaphore, #tpu.memory_space<semaphore_mem>>
      %dma_start3A_13 = tpu.memref_slice %arg4[%mul3A_2] : memref<593920xf32, #tpu.memory_space<hbm>> -> memref<18560xf32, #tpu.memory_space<hbm>>
      %dma_start3A_14 = tpu.memref_slice %arg4[%mul3A_2] : memref<593920xf32, #tpu.memory_space<hbm>> -> memref<18560xf32, #tpu.memory_space<hbm>>
      tpu.enqueue_dma source(%arg6 : memref<18560xf32, #tpu.memory_space<vmem>>) target(%dma_start3A_14 : memref<18560xf32, #tpu.memory_space<hbm>>) target_semaphore(%run_scoped3A : memref<!tpu.dma_semaphore, #tpu.memory_space<semaphore_mem>>)
      %dma_wait3A_15 = tpu.memref_slice %arg4[%mul3A_2] : memref<593920xf32, #tpu.memory_space<hbm>> -> memref<18560xf32, #tpu.memory_space<hbm>>
      %dma_wait3A_16 = tpu.memref_slice %arg4[%mul3A_2] : memref<593920xf32, #tpu.memory_space<hbm>> -> memref<18560xf32, #tpu.memory_space<hbm>>
      tpu.wait_dma2 semaphore(%run_scoped3A : memref<!tpu.dma_semaphore, #tpu.memory_space<semaphore_mem>>) src(%arg6 : memref<18560xf32, #tpu.memory_space<vmem>>) dst(%dma_wait3A_16 : memref<18560xf32, #tpu.memory_space<hbm>>)
      tpu.yield
    }) : () -> ()
    return
  }
}

module attributes {stable_mosaic.version = 14 : i64} {
  func.func @_nms_topk_kernel(%arg0: memref<64x64x64xf32, #tpu.memory_space<vmem>>, %arg1: memref<64x64xf32, #tpu.memory_space<vmem>>, %arg2: memref<64x64xi32, #tpu.memory_space<vmem>>, %arg3: memref<64x64xi32, #tpu.memory_space<vmem>>, %arg4: memref<64x64xi32, #tpu.memory_space<vmem>>, %arg5: memref<64x64xi32, #tpu.memory_space<vmem>>, %arg6: memref<64x64x145xi32, #tpu.memory_space<vmem>>) attributes {dimension_semantics = [], scalar_prefetch = 0 : i64, scratch_operands = 0 : i64, tpu.core_type = #tpu.core_type<tc>} {
    %get3A = arith.constant 0 : index
    %get3A_0 = arith.constant 0 : index
    %get3A_1 = arith.constant 0 : index
    %get3A_2 = vector.load %arg0[%get3A, %get3A_0, %get3A_1] : memref<64x64x64xf32, #tpu.memory_space<vmem>>, vector<64x64x64xf32>
    %broadcast_in_dim3A = arith.constant 0xFF800000 : f32
    %broadcast_in_dim3A_3 = vector.broadcast %broadcast_in_dim3A : f32 to vector<64x1x64xf32>
    %slice3A = vector.extract_strided_slice %get3A_2 {offsets = [0, 0, 0], sizes = [64, 63, 64], strides = [1, 1, 1]} : vector<64x64x64xf32> to vector<64x63x64xf32>
    %concatenate3A = tpu.concatenate %broadcast_in_dim3A_3, %slice3A in 1 : vector<64x1x64xf32>, vector<64x63x64xf32> -> vector<64x64x64xf32>
    %broadcast_in_dim3A_4 = arith.constant 0xFF800000 : f32
    %broadcast_in_dim3A_5 = vector.broadcast %broadcast_in_dim3A_4 : f32 to vector<64x64x1xf32>
    %slice3A_6 = vector.extract_strided_slice %concatenate3A {offsets = [0, 0, 0], sizes = [64, 64, 63], strides = [1, 1, 1]} : vector<64x64x64xf32> to vector<64x64x63xf32>
    %concatenate3A_7 = tpu.concatenate %broadcast_in_dim3A_5, %slice3A_6 in 2 : vector<64x64x1xf32>, vector<64x64x63xf32> -> vector<64x64x64xf32>
    %max3A = arith.maximumf %get3A_2, %concatenate3A_7 : vector<64x64x64xf32>
    %broadcast_in_dim3A_8 = arith.constant 0xFF800000 : f32
    %broadcast_in_dim3A_9 = vector.broadcast %broadcast_in_dim3A_8 : f32 to vector<64x1x64xf32>
    %slice3A_10 = vector.extract_strided_slice %get3A_2 {offsets = [0, 0, 0], sizes = [64, 63, 64], strides = [1, 1, 1]} : vector<64x64x64xf32> to vector<64x63x64xf32>
    %concatenate3A_11 = tpu.concatenate %broadcast_in_dim3A_9, %slice3A_10 in 1 : vector<64x1x64xf32>, vector<64x63x64xf32> -> vector<64x64x64xf32>
    %max3A_12 = arith.maximumf %max3A, %concatenate3A_11 : vector<64x64x64xf32>
    %broadcast_in_dim3A_13 = arith.constant 0xFF800000 : f32
    %broadcast_in_dim3A_14 = vector.broadcast %broadcast_in_dim3A_13 : f32 to vector<64x1x64xf32>
    %slice3A_15 = vector.extract_strided_slice %get3A_2 {offsets = [0, 0, 0], sizes = [64, 63, 64], strides = [1, 1, 1]} : vector<64x64x64xf32> to vector<64x63x64xf32>
    %concatenate3A_16 = tpu.concatenate %broadcast_in_dim3A_14, %slice3A_15 in 1 : vector<64x1x64xf32>, vector<64x63x64xf32> -> vector<64x64x64xf32>
    %slice3A_17 = vector.extract_strided_slice %concatenate3A_16 {offsets = [0, 0, 1], sizes = [64, 64, 63], strides = [1, 1, 1]} : vector<64x64x64xf32> to vector<64x64x63xf32>
    %broadcast_in_dim3A_18 = arith.constant 0xFF800000 : f32
    %broadcast_in_dim3A_19 = vector.broadcast %broadcast_in_dim3A_18 : f32 to vector<64x64x1xf32>
    %concatenate3A_20 = tpu.concatenate %slice3A_17, %broadcast_in_dim3A_19 in 2 : vector<64x64x63xf32>, vector<64x64x1xf32> -> vector<64x64x64xf32>
    %max3A_21 = arith.maximumf %max3A_12, %concatenate3A_20 : vector<64x64x64xf32>
    %broadcast_in_dim3A_22 = arith.constant 0xFF800000 : f32
    %broadcast_in_dim3A_23 = vector.broadcast %broadcast_in_dim3A_22 : f32 to vector<64x64x1xf32>
    %slice3A_24 = vector.extract_strided_slice %get3A_2 {offsets = [0, 0, 0], sizes = [64, 64, 63], strides = [1, 1, 1]} : vector<64x64x64xf32> to vector<64x64x63xf32>
    %concatenate3A_25 = tpu.concatenate %broadcast_in_dim3A_23, %slice3A_24 in 2 : vector<64x64x1xf32>, vector<64x64x63xf32> -> vector<64x64x64xf32>
    %max3A_26 = arith.maximumf %max3A_21, %concatenate3A_25 : vector<64x64x64xf32>
    %slice3A_27 = vector.extract_strided_slice %get3A_2 {offsets = [0, 0, 1], sizes = [64, 64, 63], strides = [1, 1, 1]} : vector<64x64x64xf32> to vector<64x64x63xf32>
    %broadcast_in_dim3A_28 = arith.constant 0xFF800000 : f32
    %broadcast_in_dim3A_29 = vector.broadcast %broadcast_in_dim3A_28 : f32 to vector<64x64x1xf32>
    %concatenate3A_30 = tpu.concatenate %slice3A_27, %broadcast_in_dim3A_29 in 2 : vector<64x64x63xf32>, vector<64x64x1xf32> -> vector<64x64x64xf32>
    %max3A_31 = arith.maximumf %max3A_26, %concatenate3A_30 : vector<64x64x64xf32>
    %slice3A_32 = vector.extract_strided_slice %get3A_2 {offsets = [0, 1, 0], sizes = [64, 63, 64], strides = [1, 1, 1]} : vector<64x64x64xf32> to vector<64x63x64xf32>
    %broadcast_in_dim3A_33 = arith.constant 0xFF800000 : f32
    %broadcast_in_dim3A_34 = vector.broadcast %broadcast_in_dim3A_33 : f32 to vector<64x1x64xf32>
    %concatenate3A_35 = tpu.concatenate %slice3A_32, %broadcast_in_dim3A_34 in 1 : vector<64x63x64xf32>, vector<64x1x64xf32> -> vector<64x64x64xf32>
    %broadcast_in_dim3A_36 = arith.constant 0xFF800000 : f32
    %broadcast_in_dim3A_37 = vector.broadcast %broadcast_in_dim3A_36 : f32 to vector<64x64x1xf32>
    %slice3A_38 = vector.extract_strided_slice %concatenate3A_35 {offsets = [0, 0, 0], sizes = [64, 64, 63], strides = [1, 1, 1]} : vector<64x64x64xf32> to vector<64x64x63xf32>
    %concatenate3A_39 = tpu.concatenate %broadcast_in_dim3A_37, %slice3A_38 in 2 : vector<64x64x1xf32>, vector<64x64x63xf32> -> vector<64x64x64xf32>
    %max3A_40 = arith.maximumf %max3A_31, %concatenate3A_39 : vector<64x64x64xf32>
    %slice3A_41 = vector.extract_strided_slice %get3A_2 {offsets = [0, 1, 0], sizes = [64, 63, 64], strides = [1, 1, 1]} : vector<64x64x64xf32> to vector<64x63x64xf32>
    %broadcast_in_dim3A_42 = arith.constant 0xFF800000 : f32
    %broadcast_in_dim3A_43 = vector.broadcast %broadcast_in_dim3A_42 : f32 to vector<64x1x64xf32>
    %concatenate3A_44 = tpu.concatenate %slice3A_41, %broadcast_in_dim3A_43 in 1 : vector<64x63x64xf32>, vector<64x1x64xf32> -> vector<64x64x64xf32>
    %max3A_45 = arith.maximumf %max3A_40, %concatenate3A_44 : vector<64x64x64xf32>
    %slice3A_46 = vector.extract_strided_slice %get3A_2 {offsets = [0, 1, 0], sizes = [64, 63, 64], strides = [1, 1, 1]} : vector<64x64x64xf32> to vector<64x63x64xf32>
    %broadcast_in_dim3A_47 = arith.constant 0xFF800000 : f32
    %broadcast_in_dim3A_48 = vector.broadcast %broadcast_in_dim3A_47 : f32 to vector<64x1x64xf32>
    %concatenate3A_49 = tpu.concatenate %slice3A_46, %broadcast_in_dim3A_48 in 1 : vector<64x63x64xf32>, vector<64x1x64xf32> -> vector<64x64x64xf32>
    %slice3A_50 = vector.extract_strided_slice %concatenate3A_49 {offsets = [0, 0, 1], sizes = [64, 64, 63], strides = [1, 1, 1]} : vector<64x64x64xf32> to vector<64x64x63xf32>
    %broadcast_in_dim3A_51 = arith.constant 0xFF800000 : f32
    %broadcast_in_dim3A_52 = vector.broadcast %broadcast_in_dim3A_51 : f32 to vector<64x64x1xf32>
    %concatenate3A_53 = tpu.concatenate %slice3A_50, %broadcast_in_dim3A_52 in 2 : vector<64x64x63xf32>, vector<64x64x1xf32> -> vector<64x64x64xf32>
    %max3A_54 = arith.maximumf %max3A_45, %concatenate3A_53 : vector<64x64x64xf32>
    %eq3A = arith.cmpf oeq, %max3A_54, %get3A_2 : vector<64x64x64xf32>
    %jit3A = arith.constant 0.000000e+00 : f32
    %broadcast_in_dim3A_55 = vector.broadcast %jit3A : f32 to vector<64x64x64xf32>
    %select_n3A = arith.select %eq3A, %get3A_2, %broadcast_in_dim3A_55 : vector<64x64x64xi1>, vector<64x64x64xf32>
    %iota3A = tpu.iota {dimensions = array<i32: 1>} : vector<64x64x64xi32>
    %mul3A = arith.constant 64 : i32
    %mul3A_56 = vector.broadcast %mul3A : i32 to vector<64x64x64xi32>
    %mul3A_57 = arith.muli %iota3A, %mul3A_56 : vector<64x64x64xi32>
    %iota3A_58 = tpu.iota {dimensions = array<i32: 2>} : vector<64x64x64xi32>
    %add3A = arith.addi %mul3A_57, %iota3A_58 : vector<64x64x64xi32>
    %iota3A_59 = tpu.iota {dimensions = array<i32: 1>} : vector<64x64xi32>
    %broadcast_in_dim3A_60 = arith.constant 0.000000e+00 : f32
    %broadcast_in_dim3A_61 = vector.broadcast %broadcast_in_dim3A_60 : f32 to vector<64x64xf32>
    %broadcast_in_dim3A_62 = arith.constant 0 : i32
    %broadcast_in_dim3A_63 = vector.broadcast %broadcast_in_dim3A_62 : i32 to vector<64x64xi32>
    %broadcast_in_dim3A_64 = arith.constant 0x7F800000 : f32
    %broadcast_in_dim3A_65 = vector.broadcast %broadcast_in_dim3A_64 : f32 to vector<64xf32>
    %broadcast_in_dim3A_66 = arith.constant -1 : i32
    %broadcast_in_dim3A_67 = vector.broadcast %broadcast_in_dim3A_66 : i32 to vector<64xi32>
    %scan3A = arith.constant 0xFF800000 : f32
    %scan3A_68 = arith.constant 0 : i32
    %scan3A_69 = arith.constant 64 : i32
    %scan3A_70 = arith.addi %scan3A_68, %scan3A_69 : i32
    %scan3A_71 = arith.constant 1 : i32
    %scan3A_72:4 = scf.for %scan3A_155 = %scan3A_68 to %scan3A_70 step %scan3A_71 iter_args(%scan3A_156 = %broadcast_in_dim3A_65, %scan3A_157 = %broadcast_in_dim3A_67, %scan3A_158 = %broadcast_in_dim3A_61, %scan3A_159 = %broadcast_in_dim3A_63) -> (vector<64xf32>, vector<64xi32>, vector<64x64xf32>, vector<64x64xi32>)  : i32 {
      %broadcast_in_dim3A_160 = vector.shape_cast %scan3A_156 : vector<64xf32> to vector<64x1x1xf32>
      %broadcast_in_dim3A_161 = vector.shape_cast %scan3A_157 : vector<64xi32> to vector<64x1x1xi32>
      %gt3A_162 = vector.broadcast %broadcast_in_dim3A_160 : vector<64x1x1xf32> to vector<64x64x64xf32>
      %gt3A_163 = arith.cmpf ogt, %select_n3A, %gt3A_162 : vector<64x64x64xf32>
      %eq3A_164 = vector.broadcast %broadcast_in_dim3A_160 : vector<64x1x1xf32> to vector<64x64x64xf32>
      %eq3A_165 = arith.cmpf oeq, %select_n3A, %eq3A_164 : vector<64x64x64xf32>
      %le3A = vector.broadcast %broadcast_in_dim3A_161 : vector<64x1x1xi32> to vector<64x64x64xi32>
      %le3A_166 = arith.cmpi sle, %add3A, %le3A : vector<64x64x64xi32>
      %and3A_167 = arith.andi %eq3A_165, %le3A_166 : vector<64x64x64xi1>
      %or3A = arith.ori %gt3A_163, %and3A_167 : vector<64x64x64xi1>
      %broadcast_in_dim3A_168 = vector.broadcast %scan3A : f32 to vector<64x64x64xf32>
      %select_n3A_169 = arith.select %or3A, %broadcast_in_dim3A_168, %select_n3A : vector<64x64x64xi1>, vector<64x64x64xf32>
      %reduce_max3A = arith.constant dense<0xFF800000> : vector<64xf32>
      %reduce_max3A_170 = vector.multi_reduction <maximumf>, %select_n3A_169, %reduce_max3A [1, 2] : vector<64x64x64xf32> to vector<64xf32>
      %broadcast_in_dim3A_171 = vector.shape_cast %reduce_max3A_170 : vector<64xf32> to vector<64x1x1xf32>
      %eq3A_172 = vector.broadcast %broadcast_in_dim3A_171 : vector<64x1x1xf32> to vector<64x64x64xf32>
      %eq3A_173 = arith.cmpf oeq, %select_n3A_169, %eq3A_172 : vector<64x64x64xf32>
      %jit3A_174 = arith.constant 4096 : i32
      %broadcast_in_dim3A_175 = vector.broadcast %jit3A_174 : i32 to vector<64x64x64xi32>
      %select_n3A_176 = arith.select %eq3A_173, %add3A, %broadcast_in_dim3A_175 : vector<64x64x64xi1>, vector<64x64x64xi32>
      %reduce_min3A = arith.constant dense<2147483647> : vector<64xi32>
      %reduce_min3A_177 = vector.multi_reduction <minsi>, %select_n3A_176, %reduce_min3A [1, 2] : vector<64x64x64xi32> to vector<64xi32>
      %eq3A_178 = vector.broadcast %scan3A_155 : i32 to vector<64x64xi32>
      %eq3A_179 = arith.cmpi eq, %iota3A_59, %eq3A_178 : vector<64x64xi32>
      %broadcast_in_dim3A_180 = vector.shape_cast %reduce_max3A_170 : vector<64xf32> to vector<64x1xf32>
      %broadcast_in_dim3A_181 = vector.shape_cast %broadcast_in_dim3A_180 : vector<64x1xf32> to vector<64x1xf32>
      %broadcast_in_dim3A_182 = vector.broadcast %broadcast_in_dim3A_181 : vector<64x1xf32> to vector<64x64xf32>
      %select_n3A_183 = arith.select %eq3A_179, %broadcast_in_dim3A_182, %scan3A_158 : vector<64x64xi1>, vector<64x64xf32>
      %eq3A_184 = vector.broadcast %scan3A_155 : i32 to vector<64x64xi32>
      %eq3A_185 = arith.cmpi eq, %iota3A_59, %eq3A_184 : vector<64x64xi32>
      %broadcast_in_dim3A_186 = vector.shape_cast %reduce_min3A_177 : vector<64xi32> to vector<64x1xi32>
      %broadcast_in_dim3A_187 = vector.shape_cast %broadcast_in_dim3A_186 : vector<64x1xi32> to vector<64x1xi32>
      %broadcast_in_dim3A_188 = vector.broadcast %broadcast_in_dim3A_187 : vector<64x1xi32> to vector<64x64xi32>
      %select_n3A_189 = arith.select %eq3A_185, %broadcast_in_dim3A_188, %scan3A_159 : vector<64x64xi1>, vector<64x64xi32>
      scf.yield %reduce_max3A_170, %reduce_min3A_177, %select_n3A_183, %select_n3A_189 : vector<64xf32>, vector<64xi32>, vector<64x64xf32>, vector<64x64xi32>
    }
    %scan3A_73 = arith.constant 64 : i32
    %swap3A = arith.constant 0 : index
    %swap3A_74 = arith.constant 0 : index
    %swap3A_75 = vector.load %arg1[%swap3A, %swap3A_74] : memref<64x64xf32, #tpu.memory_space<vmem>>, vector<64x64xf32>
    tpu.vector_store %arg1[%swap3A, %swap3A_74], %scan3A_72#2 {strides = array<i32>} : memref<64x64xf32, #tpu.memory_space<vmem>>, vector<64x64xf32>,
    %swap3A_76 = arith.constant 0 : index
    %swap3A_77 = arith.constant 0 : index
    %swap3A_78 = vector.load %arg2[%swap3A_76, %swap3A_77] : memref<64x64xi32, #tpu.memory_space<vmem>>, vector<64x64xi32>
    tpu.vector_store %arg2[%swap3A_76, %swap3A_77], %scan3A_72#3 {strides = array<i32>} : memref<64x64xi32, #tpu.memory_space<vmem>>, vector<64x64xi32>,
    %jit3A_79 = arith.constant 64 : i32
    %div3A = vector.broadcast %jit3A_79 : i32 to vector<64x64xi32>
    %div3A_80 = arith.divsi %scan3A_72#3, %div3A : vector<64x64xi32>
    %sign3A = arith.constant 0 : i32
    %sign3A_81 = vector.broadcast %sign3A : i32 to vector<64x64xi32>
    %sign3A_82 = arith.cmpi sgt, %scan3A_72#3, %sign3A_81 : vector<64x64xi32>
    %sign3A_83 = arith.extui %sign3A_82 : vector<64x64xi1> to vector<64x64xi32>
    %sign3A_84 = arith.constant 0 : i32
    %sign3A_85 = vector.broadcast %sign3A_84 : i32 to vector<64x64xi32>
    %sign3A_86 = arith.cmpi slt, %scan3A_72#3, %sign3A_85 : vector<64x64xi32>
    %sign3A_87 = arith.extui %sign3A_86 : vector<64x64xi1> to vector<64x64xi32>
    %sign3A_88 = arith.subi %sign3A_83, %sign3A_87 : vector<64x64xi32>
    %sign3A_89 = arith.constant 0 : i32
    %sign3A_90 = arith.cmpi sgt, %jit3A_79, %sign3A_89 : i32
    %sign3A_91 = arith.extui %sign3A_90 : i1 to i32
    %sign3A_92 = arith.constant 0 : i32
    %sign3A_93 = arith.cmpi slt, %jit3A_79, %sign3A_92 : i32
    %sign3A_94 = arith.extui %sign3A_93 : i1 to i32
    %sign3A_95 = arith.subi %sign3A_91, %sign3A_94 : i32
    %ne3A = vector.broadcast %sign3A_95 : i32 to vector<64x64xi32>
    %ne3A_96 = arith.cmpi ne, %sign3A_88, %ne3A : vector<64x64xi32>
    %rem3A = vector.broadcast %jit3A_79 : i32 to vector<64x64xi32>
    %rem3A_97 = arith.remsi %scan3A_72#3, %rem3A : vector<64x64xi32>
    %ne3A_98 = arith.constant 0 : i32
    %ne3A_99 = vector.broadcast %ne3A_98 : i32 to vector<64x64xi32>
    %ne3A_100 = arith.cmpi ne, %rem3A_97, %ne3A_99 : vector<64x64xi32>
    %and3A = arith.andi %ne3A_96, %ne3A_100 : vector<64x64xi1>
    %sub3A = arith.constant 1 : i32
    %sub3A_101 = vector.broadcast %sub3A : i32 to vector<64x64xi32>
    %sub3A_102 = arith.subi %div3A_80, %sub3A_101 : vector<64x64xi32>
    %select_n3A_103 = arith.select %and3A, %sub3A_102, %div3A_80 : vector<64x64xi1>, vector<64x64xi32>
    %swap3A_104 = arith.constant 0 : index
    %swap3A_105 = arith.constant 0 : index
    %swap3A_106 = vector.load %arg3[%swap3A_104, %swap3A_105] : memref<64x64xi32, #tpu.memory_space<vmem>>, vector<64x64xi32>
    tpu.vector_store %arg3[%swap3A_104, %swap3A_105], %select_n3A_103 {strides = array<i32>} : memref<64x64xi32, #tpu.memory_space<vmem>>, vector<64x64xi32>,
    %jit3A_107 = arith.constant 64 : i32
    %eq3A_108 = arith.constant 0 : i32
    %eq3A_109 = arith.cmpi eq, %jit3A_107, %eq3A_108 : i32
    %jit3A_110 = arith.constant 1 : i32
    %select_n3A_111 = arith.select %eq3A_109, %jit3A_110, %jit3A_107 : i32
    %rem3A_112 = vector.broadcast %select_n3A_111 : i32 to vector<64x64xi32>
    %rem3A_113 = arith.remsi %scan3A_72#3, %rem3A_112 : vector<64x64xi32>
    %ne3A_114 = arith.constant 0 : i32
    %ne3A_115 = vector.broadcast %ne3A_114 : i32 to vector<64x64xi32>
    %ne3A_116 = arith.cmpi ne, %rem3A_113, %ne3A_115 : vector<64x64xi32>
    %lt3A = arith.constant 0 : i32
    %lt3A_117 = vector.broadcast %lt3A : i32 to vector<64x64xi32>
    %lt3A_118 = arith.cmpi slt, %rem3A_113, %lt3A_117 : vector<64x64xi32>
    %lt3A_119 = arith.constant 0 : i32
    %lt3A_120 = arith.cmpi slt, %select_n3A_111, %lt3A_119 : i32
    %ne3A_121 = vector.broadcast %lt3A_120 : i1 to vector<64x64xi1>
    %ne3A_122 = vector.broadcast %ne3A_121 : vector<64x64xi1> to vector<64x64xi1>
    %ne3A_123 = arith.xori %lt3A_118, %ne3A_122 : vector<64x64xi1>
    %and3A_124 = arith.andi %ne3A_123, %ne3A_116 : vector<64x64xi1>
    %add3A_125 = vector.broadcast %select_n3A_111 : i32 to vector<64x64xi32>
    %add3A_126 = arith.addi %rem3A_113, %add3A_125 : vector<64x64xi32>
    %select_n3A_127 = arith.select %and3A_124, %add3A_126, %rem3A_113 : vector<64x64xi1>, vector<64x64xi32>
    %swap3A_128 = arith.constant 0 : index
    %swap3A_129 = arith.constant 0 : index
    %swap3A_130 = vector.load %arg4[%swap3A_128, %swap3A_129] : memref<64x64xi32, #tpu.memory_space<vmem>>, vector<64x64xi32>
    tpu.vector_store %arg4[%swap3A_128, %swap3A_129], %select_n3A_127 {strides = array<i32>} : memref<64x64xi32, #tpu.memory_space<vmem>>, vector<64x64xi32>,
    %gt3A = arith.constant 2.500000e-01 : f32
    %gt3A_131 = vector.broadcast %gt3A : f32 to vector<64x64xf32>
    %gt3A_132 = arith.cmpf ogt, %scan3A_72#2, %gt3A_131 : vector<64x64xf32>
    %swap3A_133 = arith.constant 0 : index
    %swap3A_134 = arith.constant 0 : index
    %swap3A_135 = vector.load %arg5[%swap3A_133, %swap3A_134] : memref<64x64xi32, #tpu.memory_space<vmem>>, vector<64x64xi32>
    %swap3A_136 = arith.extui %gt3A_132 : vector<64x64xi1> to vector<64x64xi32>
    %swap3A_137 = arith.constant dense<0> : vector<64x64xi32>
    %swap3A_138 = arith.cmpi ne, %swap3A_135, %swap3A_137 : vector<64x64xi32>
    tpu.vector_store %arg5[%swap3A_133, %swap3A_134], %swap3A_136 {strides = array<i32>} : memref<64x64xi32, #tpu.memory_space<vmem>>, vector<64x64xi32>,
    %iota3A_139 = tpu.iota {dimensions = array<i32: 0>} : vector<64x64x145xi32>
    %mul3A_140 = arith.constant 593920 : i32
    %mul3A_141 = vector.broadcast %mul3A_140 : i32 to vector<64x64x145xi32>
    %mul3A_142 = arith.muli %iota3A_139, %mul3A_141 : vector<64x64x145xi32>
    %iota3A_143 = tpu.iota {dimensions = array<i32: 2>} : vector<64x64x145xi32>
    %mul3A_144 = arith.constant 4096 : i32
    %mul3A_145 = vector.broadcast %mul3A_144 : i32 to vector<64x64x145xi32>
    %mul3A_146 = arith.muli %iota3A_143, %mul3A_145 : vector<64x64x145xi32>
    %add3A_147 = arith.addi %mul3A_142, %mul3A_146 : vector<64x64x145xi32>
    %broadcast_in_dim3A_148 = vector.shape_cast %scan3A_72#3 : vector<64x64xi32> to vector<64x64x1xi32>
    %add3A_149 = vector.broadcast %broadcast_in_dim3A_148 : vector<64x64x1xi32> to vector<64x64x145xi32>
    %add3A_150 = arith.addi %add3A_147, %add3A_149 : vector<64x64x145xi32>
    %swap3A_151 = arith.constant 0 : index
    %swap3A_152 = arith.constant 0 : index
    %swap3A_153 = arith.constant 0 : index
    %swap3A_154 = vector.load %arg6[%swap3A_151, %swap3A_152, %swap3A_153] : memref<64x64x145xi32, #tpu.memory_space<vmem>>, vector<64x64x145xi32>
    tpu.vector_store %arg6[%swap3A_151, %swap3A_152, %swap3A_153], %add3A_150 {strides = array<i32>} : memref<64x64x145xi32, #tpu.memory_space<vmem>>, vector<64x64x145xi32>,
    return
  }
}

</mosaic_0001>

<sc_bundles>
// kernel: kernel.4.cloned.1.call-start
scs
__scs_entry_jumppad:
0x0: {  	(pc) =	sbr.rel $0x88, $3  }
0x1: {  	(tag) =	ssettag $0x0;
	lr =	simm.s32 $0x1  }
0x2: {  	[smem:$0x3F9F] =	sst lr;
	_ =	strace $0xD0000000  }
0x3: {  	_ = 	snop  }
0x4: {  	_ = 	snop  }
0x5: {  	_ = 	snop  }
0x6: {  	_ = 	snop  }
0x7: {  	_ = 	snop  }
__scs_overlays_trampoline_lowered:
0x8: {  	[smem:$0x3FAE] =	sst s0  }
0x9: {  	[smem:$0x3FAF] =	sst s1  }
0xa: {  	[smem:$0x3FB0] =	sst s2  }
0xb: {  	[smem:$0x3FB1] =	sst s3  }
0xc: {  	[smem:$0x3FB2] =	sst s4  }
0xd: {  	[smem:$0x3FB3] =	sst s5  }
0xe: {  	[smem:$0x3FB4] =	sst s6  }
0xf: {  	[smem:$0x3FB5] =	sst s7  }
0x10: {  	[smem:$0x3FB6] =	sst s8  }
0x11: {  	[smem:$0x3FB7] =	sst s9;
	s0 =	simm.s32 @!p0 $0x0  }
0x12: {  	s1 =	sld [smem:$0x3F9D];
	s0 =	simm.s32 @p0 $0x1  }
0x13: {  	[smem:$0x3FB8] =	sst s0;
	s0 =	simm.s32 @!p1 $0x0  }
0x14: {  	s2 =	sld [smem:$0x3F9C];
	s0 =	simm.s32 @p1 $0x1  }
0x15: {  	[smem:$0x3FB9] =	sst s0;
	s0 =	simm.s32 @!p2 $0x0  }
0x16: {  	s3 =	sld [smem:$0x3FDB];
	s0 =	simm.s32 @p2 $0x1  }
0x17: {  	s4 =	simm.s32 $0x1BF5;
	[smem:$0x3FBB] =	sst s0  }
0x18: {  	s0 =	sld [smem:$0x3F9E];
	_ =	swait.ge [sflag:s4], $0x0  }
0x19: {  	s7 =	sld [smem:$0x3F9F]  }
0x1a: {  	s8 =	sadd.s32 $0xFFFFE003, lr  }
0x1b: {  	s9 =	sadd.s32 $0xFFFFFEF7, lr;
	s5 =	simm.s32 $0xFFFFFFFF;
	p2 =	slt.u32 s8, $0xFFFFF086  }
0x1c: {  	p1 =	slt.u32 s9, $0xF7A;
	s5 =	simm.s32 @!p2 $0x0  }
0x1d: {  	s5 =	simm.s32 @p1 $0x1;
	p0 =	seq.s32 s7, s2  }
0x1e: {  	s7 =	smul.u32 @!p0 $0xF7A, s2;
	p2 =	seq.s32 @!p0 s5, $0x0  }
0x1f: {  	s9 =	smul.u32 $0xF7A, s1;
	s8 =	simm.s32 @!p0 $0x1BF5;
	p2 =	por !p2, p0  }
0x20: {  	[sflag:s8] =	ssyncset.s32 @!p0 $0xFFFFF086;
	s6 =	sadd.s32 @!p0 s3, s7;
	s7 =	simm.s32 @!p0 $0x108  }
0x21: {  	s3 =	sadd.s32 s3, s9;
	s6 =	sadd.s32 @!p0 $0x88, s6;
	s7 =	simm.s32 @p2 $0x1082  }
0x22: {  	[simem:s7], [sflag:s8] =	dma.local @!p0 [hbm:s6], $0xF7A  }
0x23: {  	s9 =	sor.u32 $0xD0000000, s2;
	s6 =	simm.s32 $0x108;
	_ =	swait.ge @!p0 [sflag:s8], $0x0  }
0x24: {  	s3 =	sadd.s32 $0x88, s3;
	s6 =	simm.s32 @!p1 $0x1082;
	[sflag:s4] =	ssyncset.s32 $0xFFFFF086  }
0x25: {  	[simem:s6], [sflag:s4] =	dma.local [hbm:s3], $0xF7A  }
0x26: {  	[smem:$0x3F9F] =	sst s1;
	(tag) =	ssettag s2;
	_ =	strace s9  }
0x27: {  	s1 =	sld [smem:$0x3FAF]  }
0x28: {  	s2 =	sld [smem:$0x3FB0]  }
0x29: {  	s4 =	sld [smem:$0x3FB2]  }
0x2a: {  	p0 =	seq.s32 s5, $0x0;
	s5 =	sld [smem:$0x3FB3]  }
0x2b: {  	s6 =	sld [smem:$0x3FB4]  }
0x2c: {  	s7 =	sld [smem:$0x3FB5]  }
0x2d: {  	s3 =	simm.s32 $0x108;
	s8 =	sld [smem:$0x3FB6]  }
0x2e: {  	s3 =	simm.s32 @!p0 $0x1082;
	s9 =	sld [smem:$0x3FB7]  }
0x2f: {  	lr =	sadd.s32 s0, s3;
	s0 =	sld [smem:$0x3FAE]  }
0x30: {  	s3 =	sld [smem:$0x3FB1]  }
0x31: {  	[smem:$0x3FBA] =	sst s10  }
0x32: {  	s10 =	sld [smem:$0x3FB8];
	_ =	sdelay $0x3  }
0x33: {  	p0 =	seq.s32 s10, $0x1;
	s10 =	sld [smem:$0x3FBA];
	_ =	sdelay $0x3  }
0x34: {  	[smem:$0x3FBA] =	sst s10  }
0x35: {  	s10 =	sld [smem:$0x3FB9];
	_ =	sdelay $0x3  }
0x36: {  	p1 =	seq.s32 s10, $0x1;
	s10 =	sld [smem:$0x3FBA];
	_ =	sdelay $0x3  }
0x37: {  	[smem:$0x3FBA] =	sst s10  }
0x38: {  	s10 =	sld [smem:$0x3FBB]  }
0x39: {  	_ = 	snop;
	(pc) =	sbr.ind lr, $3  }
0x3a: {  	_ = 	snop  }
0x3b: {  	_ = 	snop  }
0x3c: {  	p2 =	seq.s32 s10, $0x1;
	s10 =	sld [smem:$0x3FBA]  }
0x3d: {  	_ =	shalt  }
0x3e: {  	_ =	shalt  }
0x3f: {  	_ =	shalt  }
0x40: {  	_ =	shalt  }
0x41: {  	_ =	shalt  }
0x42: {  	_ =	shalt  }
0x43: {  	_ =	shalt  }
0x44: {  	_ =	shalt  }
0x45: {  	_ =	shalt  }
0x46: {  	_ =	shalt  }
0x47: {  	_ =	shalt  }
0x48: {  	_ =	shalt  }
0x49: {  	_ =	shalt  }
0x4a: {  	_ =	shalt  }
0x4b: {  	_ =	shalt  }
0x4c: {  	_ =	shalt  }
0x4d: {  	_ =	shalt  }
0x4e: {  	_ =	shalt  }
0x4f: {  	_ =	shalt  }
0x50: {  	_ =	shalt  }
0x51: {  	_ =	shalt  }
0x52: {  	_ =	shalt  }
0x53: {  	_ =	shalt  }
0x54: {  	_ =	shalt  }
0x55: {  	_ =	shalt  }
0x56: {  	_ =	shalt  }
0x57: {  	_ =	shalt  }
0x58: {  	_ =	shalt  }
0x59: {  	_ =	shalt  }
0x5a: {  	_ =	shalt  }
0x5b: {  	_ =	shalt  }
0x5c: {  	_ =	shalt  }
0x5d: {  	_ =	shalt  }
0x5e: {  	_ =	shalt  }
0x5f: {  	_ =	shalt  }
0x60: {  	_ =	shalt  }
0x61: {  	_ =	shalt  }
0x62: {  	_ =	shalt  }
0x63: {  	_ =	shalt  }
0x64: {  	_ =	shalt  }
0x65: {  	_ =	shalt  }
0x66: {  	_ =	shalt  }
0x67: {  	_ =	shalt  }
0x68: {  	_ =	shalt  }
0x69: {  	_ =	shalt  }
0x6a: {  	_ =	shalt  }
0x6b: {  	_ =	shalt  }
0x6c: {  	_ =	shalt  }
0x6d: {  	_ =	shalt  }
0x6e: {  	_ =	shalt  }
0x6f: {  	_ =	shalt  }
0x70: {  	_ =	shalt  }
0x71: {  	_ =	shalt  }
0x72: {  	_ =	shalt  }
0x73: {  	_ =	shalt  }
0x74: {  	_ =	shalt  }
0x75: {  	_ =	shalt  }
0x76: {  	_ =	shalt  }
0x77: {  	_ =	shalt  }
0x78: {  	_ =	shalt  }
0x79: {  	_ =	shalt  }
0x7a: {  	_ =	shalt  }
0x7b: {  	_ =	shalt  }
0x7c: {  	_ =	shalt  }
0x7d: {  	_ =	shalt  }
0x7e: {  	_ =	shalt  }
0x7f: {  	_ =	shalt  }
0x80: {  	_ =	shalt  }
0x81: {  	_ =	shalt  }
0x82: {  	_ =	shalt  }
0x83: {  	_ =	shalt  }
0x84: {  	_ =	shalt  }
0x85: {  	_ =	shalt  }
0x86: {  	_ =	shalt  }
0x87: {  	_ =	shalt  }
.Lfunc_end0:
.L_simem_size_0:
called_computation_lowered:
.L_overlay_start_0:
0x88: {  	s2 =	sld [smem:$0x3FD9]  }
0x89: {  	s3 =	sld [smem:$0x3FFE];
	_ =	sdelay $0x1  }
0x8a: {  	s1 =	srdreg.scid  }
0x8b: {  	s0 =	sand.u32 $0x1, s1  }
0x8c: {  	s14 =	sshll.u32 s0, $0xA;
	s2 =	sadd.s32 s3, s2  }
0x8d: {  	s2 =	sadd.s32 s2, s14  }
0x8e: {  	[smem:$0x3FC6] =	sst s2  }
0x8f: {  	_ = 	snop  }
0x90: {  	s2 =	sld [smem:$0x3FD0];
	_ =	sdelay $0x2  }
0x91: {  	s15 =	simm.s32 $0xA;
	s4 =	simm.s32 $0x10  }
0x92: {  	[smem:s4], [sflag:s15] =	dma.local [hbm:s2], $0x1  }
0x93: {  	_ =	swait.eq [sflag:s15], $0x1  }
0x94: {  	[sflag:s15] =	ssyncset.done $0x0  }
0x95: {  	[sflag:s15] =	ssyncadd.s32 $0xFFFFFFFF  }
0x96: {  	s16 =	sld [smem:$0x10];
	(tm) =	ssettm $0x1  }
0x97: {  	s17 =	sld [smem:$0x3FFB];
	_ =	sdelay $0x3  }
0x98: {  	_ =	strace s17  }
0x99: {  	s3 =	sld [smem:$0x3FFC];
	_ =	sdelay $0x3  }
0x9a: {  	_ =	strace s3  }
0x9b: {  	s3 =	sld [smem:$0x3FFD];
	_ =	sdelay $0x3  }
0x9c: {  	_ =	strace s3  }
0x9d: {  	_ =	strace $0x8FFFFFFF  }
0x9e: {  	s18 =	sld [smem:$0x3FDB];
	_ =	sdelay $0x1  }
0x9f: {  	s19 =	simm.s32 $_scs_section_size  }
0xa0: {  	s5 =	simm.s32 $_size__tile_overlayer_lowered;
	s6 =	simm.s32 $_tile_overlayer_lowered  }
0xa1: {  	s22 =	simm.s32 $0x1BFF;
	s21 =	sshll.u32 s6, $0x1;
	s3 =	sadd.s32 s19, s18  }
0xa2: {  	s7 =	simm.s32 $0x0;
	s20 =	sshll.u32 s5, $0x1;
	s5 =	sadd.s32 s21, s3  }
0xa3: {  	[timem:s7], [sflag:s22] =	dma.local [hbm:s5], s20  }
0xa4: {  	_ =	swait.ge [sflag:s22], s20  }
0xa5: {  	s4 =	ssub.s32 $0x0, s20;
	[sflag:s22] =	ssyncset.done $0x0  }
0xa6: {  	[sflag:s22] =	ssyncadd.s32 s4;
	_ =	sdelay $0x1  }
0xa7: {  	s23 =	simm.s32 $0x1B8B  }
0xa8: {  	_ =	swait.ge [sflag:s23], $0x1  }
0xa9: {  	[sflag:s23] =	ssyncset.done $0x0  }
0xaa: {  	s25 =	simm.s32 $0x1B8E;
	s24 =	sld [smem:$0x3FFE];
	[sflag:s23] =	ssyncadd.s32 $0xFFFFFFFF  }
0xab: {  	s26 =	simm.s32 $execute0_lowered;
	[smem:$0x3FD2] =	sst s25  }
0xac: {  	s5 =	sshll.u32 s26, $0x1;
	_ =	strace $0x80000046;
	[dreg:$0x1] =	wrdreg $0xFFFFFFFF  }
0xad: {  	s28 =	simm.s32 $_size_execute0_lowered;
	s3 =	sadd.s32 s3, s5;
	[dreg:$0x0] =	wrdreg $0x0  }
0xae: {  	s5 =	sshll.u32 s28, $0x1;
	[dreg:$0x2] =	wrdreg s3  }
0xaf: {  	[dreg:$0x3] =	wrdreg s5  }
0xb0: {  	[dreg:$0x4] =	wrdreg $0xC0  }
0xb1: {  	_ =	task [dreg:s7], $0x5FFFF  }
0xb2: {  	[dreg:$0x1] =	wrdreg $0xFFFFFFFF  }
0xb3: {  	[dreg:$0x0] =	wrdreg $0x60  }
0xb4: {  	[dreg:$0x2] =	wrdreg s24  }
0xb5: {  	[dreg:$0x3] =	wrdreg s16  }
0xb6: {  	[dreg:$0x4] =	wrdreg $0x9  }
0xb7: {  	_ =	task.clear_ibuf [dreg:s7], $0x5FFFF;
	_ =	strace $0x90000046  }
0xb8: {  	s29 =	simm.s32 $0x9;
	_ =	strace $0x80000048  }
0xb9: {  	_ =	swait.ge [sflag:s29], $0x1  }
0xba: {  	[sflag:s29] =	ssyncadd.s32 $0xFFFFFFFF  }
0xbb: {  	_ =	strace $0x90000048  }
0xbc: {  	_ =	sfence  }
0xbd: {  	s30 =	sld [smem:$0x0];
	_ =	sdelay $0x2  }
0xbe: {  	s31 =	sshll.u32 s1, $0xD;
	s1 =	sshrl.u32 s1, $0x2  }
0xbf: {  	s3 =	sand.u32 $0x4000, s31;
	s1 =	sadd.s32 s1, s30  }
0xc0: {  	s0 =	sor.u32 s3, s0;
	s1 =	sshll.u32 s1, $0x11  }
0xc1: {  	s0 =	sor.u32 s1, s0  }
0xc2: {  	s0 =	sadd.s32 $0x8F2B, s0  }
0xc3: {  	[sflag:s0] =	ssyncadd.remote.s32 $0x1  }
0xc4: {  	_ =	sfence.sel $0xFFFF  }
0xc5: {  	[dreg:$0x0] =	wrdreg $0xFFFFFFFF;
	(pc) =	sbr.abs _section_cstart, $3  }
0xc6: {  	[dreg:$0x1] =	wrdreg $0xFFFFFFFF  }
0xc7: {  	_ =	task.clear_ibuf [dreg:s7], $0x2FFFF;
	_ =	strace $0x9FFFFFFF  }
0xc8: {  	(tm) =	ssettm $0x7FFFFFFF  }
0xc9: {  	_ =	shalt  }
tec
execute0_lowered:
.L_overlay_start_1:
0x0: {  	(tag) =	ssettag $0x1  }
0x1: {  	s1 =	srdreg.scid;
	s0 =	stileid.u32  }
0x2: {  	s8 =	rddreg [dreg:$0x0];
	s6 =	sand.u32 $0x1, s1;
	s30 =	sshll.u32 s0, $0x1  }
0x3: {  	s3 =	rddreg [dreg:$0x1];
	s2 =	simm.s32 $0x0;
	s4 =	sor.u32 s6, s30  }
0x4: {  	[smem:$0x7FF] =	sst s2;
	s9 =	smul.u32 $0x910, s4  }
0x5: {  	s7 =	simm.s32 $0x1;
	s1 =	rddreg [dreg:$0x2];
	_ =	strace $0x80000047  }
0x6: {  	s10 =	ssub.s32 $0x2, s6;
	s4 =	sadd.s32 s3, s9;
	s3 =	simm.s32 $0x2  }
0x7: {  	[tilespmem:s2], [sflag:$0x2] =	stream.linear.gather [hbm4b:s4+s2], $0x4880, $0x38;
	[tilespmem:$0x9100] =	vst v63  }
0x8: {  	s5 =	sadd.s32 $0x910800, s8;
	s11 =	sshrl.u32 s10, $0x1;
	_ =	swait.ge [sflag:s3], $0x4880  }
0x9: {  	s6 =	simm.s32 $0x4880;
	s31 =	ssub.s32 s10, s11;
	[sflag:s3] =	ssyncset.done $0x0  }
0xa: {  	s8 =	sadd.s32 s9, s8;
	s9 =	smax.u32 s31, $0x1;
	[sflag:s3] =	ssyncadd.s32 $0xFFFFB780  }
0xb: {  	[tilespmem:s6], [sflag:$0x1] =	stream.indirect.gather [hbm4b:s5+s6], $0x1, s2, s6, $0xb8;
	[tilespmem:$0x9100] =	vst v63  }
0xc: {  	p0 =	sne.s32 s9, $0x1;
	_ =	swait.ge [sflag:s7], $0x4880  }
.Ltmp0:
0xd: {  	[sflag:s7] =	ssyncset.done $0x0;
	(pc) =	sbr.rel @!p0 .LBB2_2-.Ltmp0, $4  }
0xe: {  	s8 =	sadd.s32 $0x800, s8;
	[sflag:s7] =	ssyncadd.s32 $0xFFFFB780  }
0xf: {  	[hbm4b:s8+s2] =	stream.linear.scatter [tilespmem:s6], [sflag:$0x2], $0x4880, $0x38;
	[tilespmem:$0x9100] =	vst v63  }
0x10: {  	_ =	swait.ge [sflag:s3], $0x4880  }
0x11: {  	s9 =	sadd.s32 $0xFFFFFFFF, s9;
	[sflag:s3] =	ssyncset.done $0x0  }
.LBB2_1:
0x12: {  	p0 =	sne.s32 s9, $0x1;
	s9 =	sadd.s32 $0xFFFFFFFF, s9;
	[sflag:s3] =	ssyncadd.s32 $0xFFFFB780  }
0x13: {  	[tilespmem:s2], [sflag:$0x2] =	stream.linear.gather [hbm4b:s4+s2], $0x4880, $0x38;
	[tilespmem:$0x9100] =	vst v63  }
0x14: {  	_ =	swait.ge [sflag:s3], $0x4880  }
0x15: {  	[sflag:s3] =	ssyncset.done $0x0  }
0x16: {  	[sflag:s3] =	ssyncadd.s32 $0xFFFFB780  }
0x17: {  	[tilespmem:s6], [sflag:$0x1] =	stream.indirect.gather [hbm4b:s5+s6], $0x1, s2, s6, $0xb8;
	[tilespmem:$0x9100] =	vst v63  }
0x18: {  	_ =	swait.ge [sflag:s7], $0x4880  }
.Ltmp1:
0x19: {  	[sflag:s7] =	ssyncset.done $0x0;
	(pc) =	sbr.rel @p0 .LBB2_1-.Ltmp1, $4  }
0x1a: {  	[sflag:s7] =	ssyncadd.s32 $0xFFFFB780  }
0x1b: {  	[hbm4b:s8+s2] =	stream.linear.scatter [tilespmem:s6], [sflag:$0x2], $0x4880, $0x38;
	[tilespmem:$0x9100] =	vst v63  }
0x1c: {  	_ =	swait.ge [sflag:s3], $0x4880  }
0x1d: {  	[sflag:s3] =	ssyncset.done $0x0  }
.LBB2_2:
0x1e: {  	[sflag:s3] =	ssyncadd.s32 $0xFFFFB780  }
0x1f: {  	_ =	sfence.sel $0x180000  }
0x20: {  	[bflag:$0x0] =	sbarrier.arrive $0xFFFF  }
0x21: {  	p0 =	sne.s32 s0, $0x0;
	_ =	strace $0x90000047  }
0x22: {  	s0 =	sadd.s32 @!p0 $0x100000, s1;
	[bflag:$0x2] =	sbarrier.arrive $0xFFFF  }
0x23: {  	[sflag:s0] =	ssyncadd.tile.s32 @!p0 $0x1;
	_ =	shalt  }
.Lfunc_end2:
_tile_overlayer_lowered:
.L_overlay_start_2:
0x24: {  	(tag) =	ssettag $0x2  }
0x25: {  	s0 =	rddreg [dreg:$0x0];
	s2 =	stileid.u32  }
0x26: {  	s1 =	rddreg [dreg:$0x1];
	p0 =	sne.s32 s2, $0x0  }
0x27: {  	s3 =	rddreg [dreg:$0x2];
	[bflag:$0x3] =	sbarrier.arrive $0xFFFF;
	s2 =	simm.s32 @!p0 $0x1C02  }
0x28: {  	[timem:s3], [sflag:s2] =	dma.local @!p0 [hbm:s0], s1  }
0x29: {  	s0 =	simm.s32 @!p0 $0x2  }
0x2a: {  	_ =	swait.ge @!p0 [sflag:s0], s1  }
0x2b: {  	s1 =	ssub.s32 @!p0 $0x0, s1;
	[sflag:s0] =	ssyncset.done @!p0 $0x0  }
0x2c: {  	[sflag:s0] =	ssyncadd.s32 @!p0 s1  }
0x2d: {  	[bflag:$0x3] =	sbarrier.arrive $0xFFFF  }
0x2e: {  	_ =	shalt  }

</sc_bundles>
